<compile_context>
chip_gen: v7x
topology: tpu7x:2x2x1
jax: 0.10.2.dev20260603
libtpu: 0.0.44.dev20260713+nightly
codegen_flags: <defaults>
</compile_context>

<pallas_src>
import functools

import jax
import jax.numpy as jnp
from jax import lax
from jax.experimental import pallas as pl
from jax.experimental.pallas import tpu as pltpu
from jax.experimental.pallas import tpu_sc as plsc

N = 10000
NPAD = 10240
E = 320000
D = 128
DP = 144

NC = 2
NS = 16
NW = NC * NS
CH = 128
NCHUNK = 80
EPW = NCHUNK * CH
EREAL = E // NW
EPADW = EPW - EREAL
RPS = NPAD // NS


def _sc_segment_sum(xpad, src, dst, zeros):
    mesh = plsc.VectorSubcoreMesh(core_axis_name="c", subcore_axis_name="s")

    @functools.partial(
        pl.kernel,
        mesh=mesh,
        compiler_params=pltpu.CompilerParams(use_tc_tiling_on_sc=False),
        out_type=jax.ShapeDtypeStruct((2 * NPAD, DP), jnp.float32),
        scratch_types=[
            pltpu.VMEM((CH,), jnp.int32),
            pltpu.VMEM((CH,), jnp.int32),
            pltpu.VMEM((CH, DP), jnp.float32),
            pltpu.VMEM((CH,), jnp.int32),
            pltpu.VMEM((CH,), jnp.int32),
            pltpu.VMEM((CH, DP), jnp.float32),
            pltpu.VMEM_SHARED((NPAD, DP), jnp.float32),
            pltpu.SemaphoreType.DMA,
            pltpu.SemaphoreType.DMA,
            pltpu.SemaphoreType.DMA,
            pltpu.SemaphoreType.DMA,
        ],
    )
    def k(xpad_hbm, src_hbm, dst_hbm, zeros_hbm, out_hbm,
          s0, d0, r0, s1, d1, r1, acc, is0, is1, gs0, gs1):
        c = lax.axis_index("c")
        s = lax.axis_index("s")
        w = c * NS + s

        pltpu.sync_copy(zeros_hbm.at[pl.ds(s * RPS, RPS)],
                        acc.at[pl.ds(s * RPS, RPS)])
        plsc.subcore_barrier()

        base0 = w * EPW
        NPAIR = NCHUNK // 2

        def start_idx(j, sb, db, sem):
            base = base0 + j * CH
            pltpu.make_async_copy(src_hbm.at[pl.ds(base, CH)], sb, sem).start()
            pltpu.make_async_copy(dst_hbm.at[pl.ds(base, CH)], db, sem).start()

        def wait_idx(sb, db, sem):
            pltpu.make_async_copy(src_hbm.at[pl.ds(base0, CH)], sb, sem).wait()
            pltpu.make_async_copy(dst_hbm.at[pl.ds(base0, CH)], db, sem).wait()

        def start_gather(sb, rb, sem):
            pltpu.make_async_copy(xpad_hbm.at[sb], rb, sem).start()

        def wait_gather(sb, rb, sem):
            pltpu.make_async_copy(xpad_hbm.at[sb], rb, sem).wait()

        def scatter(rb, db):
            pltpu.sync_copy(rb, acc.at[db], add=True)

        start_idx(0, s0, d0, is0)
        wait_idx(s0, d0, is0)
        start_gather(s0, r0, gs0)
        start_idx(1, s1, d1, is1)

        def body(p, carry):
            wait_idx(s1, d1, is1)
            start_gather(s1, r1, gs1)
            wait_gather(s0, r0, gs0)
            scatter(r0, d0)

            @pl.when(p + 1 < NPAIR)
            def _():
                start_idx(2 * p + 2, s0, d0, is0)
                wait_idx(s0, d0, is0)
                start_gather(s0, r0, gs0)

            wait_gather(s1, r1, gs1)
            scatter(r1, d1)

            @pl.when(p + 1 < NPAIR)
            def _():
                start_idx(2 * p + 3, s1, d1, is1)

            return carry

        lax.fori_loop(0, NPAIR, body, 0)

        plsc.subcore_barrier()

        pltpu.sync_copy(acc.at[pl.ds(s * RPS, RPS)],
                        out_hbm.at[pl.ds(c * NPAD + s * RPS, RPS)])

    return k(xpad, src, dst, zeros)


BR = 1000


def _tc_self_body(x_ref, w_ref, b_ref, o_ref):
    o_ref[...] = jnp.dot(x_ref[...], w_ref[...],
                         preferred_element_type=jnp.float32) + b_ref[...]


def _tc_self(X, W1, b2):
    return pl.pallas_call(
        _tc_self_body,
        grid=(N // BR,),
        in_specs=[
            pl.BlockSpec((BR, D), lambda i: (i, 0)),
            pl.BlockSpec((D, D), lambda i: (0, 0)),
            pl.BlockSpec((1, D), lambda i: (0, 0)),
        ],
        out_specs=pl.BlockSpec((BR, D), lambda i: (i, 0)),
        out_shape=jax.ShapeDtypeStruct((N, D), jnp.float32),
    )(X, W1, b2)


def _tc_body(h_ref, s0_ref, s1_ref, w_ref, o_ref):
    s = s0_ref[0] + s1_ref[0]
    deg = jnp.sum(s[:, D:DP], axis=1, keepdims=True)
    xn = s[:, 0:D] / jnp.maximum(deg, 1.0)
    acc = h_ref[...] + jnp.dot(xn, w_ref[...],
                               preferred_element_type=jnp.float32)
    o_ref[...] = jnp.maximum(acc, 0.0)


def _tc_combine(H1, partials, W2):
    grid = (N // BR,)
    return pl.pallas_call(
        _tc_body,
        grid=grid,
        in_specs=[
            pl.BlockSpec((BR, D), lambda i: (i, 0)),
            pl.BlockSpec((1, BR, DP), lambda i: (0, i, 0)),
            pl.BlockSpec((1, BR, DP), lambda i: (1, i, 0)),
            pl.BlockSpec((D, D), lambda i: (0, 0)),
        ],
        out_specs=pl.BlockSpec((BR, D), lambda i: (i, 0)),
        out_shape=jax.ShapeDtypeStruct((N, D), jnp.float32),
    )(H1, partials, partials, W2)


def kernel(X, edge_index, W, b):
    src = edge_index[0].astype(jnp.int32)
    dst = edge_index[1].astype(jnp.int32)
    padv = N + jnp.arange(EPADW, dtype=jnp.int32)
    padm = jnp.broadcast_to(padv, (NW, EPADW))
    src = jnp.concatenate([src.reshape(NW, EREAL), padm], axis=1).reshape(-1)
    dst = jnp.concatenate([dst.reshape(NW, EREAL), padm], axis=1).reshape(-1)
    xpad = jnp.concatenate(
        [X, jnp.ones((N, 1), jnp.float32), jnp.zeros((N, DP - D - 1), jnp.float32)],
        axis=1)
    xpad = jnp.concatenate([xpad, jnp.zeros((NPAD - N, DP), jnp.float32)], axis=0)
    zeros = jnp.zeros((NPAD, DP), jnp.float32)
    partials = _sc_segment_sum(xpad, src, dst, zeros)
    h1 = _tc_self(X, W[0:D], b.reshape(1, D))
    p3 = partials.reshape(2, NPAD, DP)
    return _tc_combine(h1, p3, W[D:2 * D])

# --- scband reference (transcript-rebuilt; emitter-appended) ---
"""Pipeline reference for scband-clique-graph-conv-13065290514691 (READ-ONLY COPY).

The authoritative reference and input builder live on the scoring server;
editing this copy changes nothing except your own understanding.
"""

import jax, jax.numpy as jnp
import numpy as np

N_NODES = 10000
N_EDGES = 320000
D_IN = 128
D_OUT = 128


def setup_inputs(seed: int = 0) -> dict:
    key = jax.random.key(seed)
    k_x, k_e, k_w = jax.random.split(key, 3)
    X = jax.random.normal(k_x, (N_NODES, D_IN), dtype=jnp.float32)
    edge_index = jax.random.randint(k_e, (2, N_EDGES), 0, N_NODES, dtype=jnp.int64)
    # theta: Linear(in_channels*2 -> out_channels) with bias
    W = jax.random.normal(k_w, (2 * D_IN, D_OUT), dtype=jnp.float32) * 0.02
    b = jnp.zeros((D_OUT,), dtype=jnp.float32)
    return {"X": X, "edge_index": edge_index, "W": W, "b": b}


def reference(X, edge_index, W, b):
    src = edge_index[0]
    dst = edge_index[1]
    # v2v mean aggregation: mean of neighbor features scattered to dst nodes
    msgs = jnp.take(X, src, axis=0)
    sums = jax.ops.segment_sum(msgs, dst, num_segments=N_NODES)
    deg = jax.ops.segment_sum(jnp.ones((N_EDGES,), dtype=X.dtype), dst, num_segments=N_NODES)
    X_nbr = sums / jnp.maximum(deg, 1.0)[:, None]
    # concat self + neighbor, linear, relu; dropout is identity in eval mode
    H = jnp.concatenate([X, X_nbr], axis=1)
    out = H @ W + b
    out = jax.nn.relu(out)
    return out

if __name__ == "__main__":
    import jax
    _d = setup_inputs()
    print(jax.jit(kernel)(*tuple(_d.values())))

</pallas_src>

<mosaic_0001>
#map = affine_map<(d0, d1) -> (0, 0)>
#map1 = affine_map<(d0, d1) -> (0)>
module attributes {stable_mosaic.version = 14 : i64} {
  func.func @k(%arg0: i32, %arg1: i32, %arg2: memref<10240x144xf32, #tpu.memory_space<hbm>>, %arg3: memref<327680xi32, #tpu.memory_space<hbm>>, %arg4: memref<327680xi32, #tpu.memory_space<hbm>>, %arg5: memref<10240x144xf32, #tpu.memory_space<hbm>>, %arg6: memref<20480x144xf32, #tpu.memory_space<hbm>>, %arg7: memref<128xi32, #tpu.memory_space<vmem>>, %arg8: memref<128xi32, #tpu.memory_space<vmem>>, %arg9: memref<128x144xf32, #tpu.memory_space<vmem>>, %arg10: memref<128xi32, #tpu.memory_space<vmem>>, %arg11: memref<128xi32, #tpu.memory_space<vmem>>, %arg12: memref<128x144xf32, #tpu.memory_space<vmem>>, %arg13: memref<10240x144xf32, #tpu.memory_space<vmem_shared>>, %arg14: memref<!tpu.dma_semaphore, #tpu.memory_space<semaphore_mem>>, %arg15: memref<!tpu.dma_semaphore, #tpu.memory_space<semaphore_mem>>, %arg16: memref<!tpu.dma_semaphore, #tpu.memory_space<semaphore_mem>>, %arg17: memref<!tpu.dma_semaphore, #tpu.memory_space<semaphore_mem>>) attributes {dimension_semantics = [#tpu.dimension_semantics<core_parallel>, #tpu.dimension_semantics<subcore_parallel>], iteration_bounds = array<i64: 2, 16>, scalar_prefetch = 0 : i64, scratch_operands = 11 : i64, tpu.core_type = #tpu.core_type<sc_vector_subcore>, window_params = [{transform_indices = #map}, {transform_indices = #map1}, {transform_indices = #map1}, {transform_indices = #map}, {transform_indices = #map}]} {
    %mul3A = arith.constant 16 : i32
    %mul3A_0 = arith.muli %arg0, %mul3A : i32
    %add3A = arith.addi %mul3A_0, %arg1 : i32
    %mul3A_1 = arith.constant 640 : i32
    %mul3A_2 = arith.muli %arg1, %mul3A_1 : i32
    %mul3A_3 = arith.constant 640 : i32
    %mul3A_4 = arith.muli %arg1, %mul3A_3 : i32
    "tpu.region"() ({
      %run_scoped3A = tpu.sem_alloc : memref<!tpu.dma_semaphore, #tpu.memory_space<semaphore_mem>>
      %dma_start3A_37 = arith.constant 0 : i32
      %dma_start3A_38 = tpu.memref_slice %arg13[%mul3A_4, %dma_start3A_37] : memref<10240x144xf32, #tpu.memory_space<vmem_shared>> -> memref<640x144xf32, #tpu.memory_space<vmem_shared>>
      %dma_start3A_39 = arith.constant 0 : i32
      %dma_start3A_40 = tpu.memref_slice %arg5[%mul3A_2, %dma_start3A_39] : memref<10240x144xf32, #tpu.memory_space<hbm>> -> memref<640x144xf32, #tpu.memory_space<hbm>>
      tpu.enqueue_dma source(%dma_start3A_40 : memref<640x144xf32, #tpu.memory_space<hbm>>) target(%dma_start3A_38 : memref<640x144xf32, #tpu.memory_space<vmem_shared>>) target_semaphore(%run_scoped3A : memref<!tpu.dma_semaphore, #tpu.memory_space<semaphore_mem>>)
      %dma_wait3A_41 = arith.constant 0 : i32
      %dma_wait3A_42 = tpu.memref_slice %arg13[%mul3A_4, %dma_wait3A_41] : memref<10240x144xf32, #tpu.memory_space<vmem_shared>> -> memref<640x144xf32, #tpu.memory_space<vmem_shared>>
      %dma_wait3A_43 = arith.constant 0 : i32
      %dma_wait3A_44 = tpu.memref_slice %arg5[%mul3A_2, %dma_wait3A_43] : memref<10240x144xf32, #tpu.memory_space<hbm>> -> memref<640x144xf32, #tpu.memory_space<hbm>>
      tpu.wait_dma2 semaphore(%run_scoped3A : memref<!tpu.dma_semaphore, #tpu.memory_space<semaphore_mem>>) src(%dma_wait3A_44 : memref<640x144xf32, #tpu.memory_space<hbm>>) dst(%dma_wait3A_42 : memref<640x144xf32, #tpu.memory_space<vmem_shared>>)
      tpu.yield
    }) : () -> ()
    %barrier3A = arith.constant 0 : index
    tpu.barrier barrier_id(%barrier3A)
    %mul3A_5 = arith.constant 10240 : i32
    %mul3A_6 = arith.muli %add3A, %mul3A_5 : i32
    %add3A_7 = arith.constant 0 : i32
    %add3A_8 = arith.addi %mul3A_6, %add3A_7 : i32
    %dma_start3A = tpu.memref_slice %arg3[%add3A_8] : memref<327680xi32, #tpu.memory_space<hbm>> -> memref<128xi32, #tpu.memory_space<hbm>>
    %dma_start3A_9 = tpu.memref_slice %arg3[%add3A_8] : memref<327680xi32, #tpu.memory_space<hbm>> -> memref<128xi32, #tpu.memory_space<hbm>>
    tpu.enqueue_dma source(%dma_start3A_9 : memref<128xi32, #tpu.memory_space<hbm>>) target(%arg7 : memref<128xi32, #tpu.memory_space<vmem>>) target_semaphore(%arg14 : memref<!tpu.dma_semaphore, #tpu.memory_space<semaphore_mem>>)
    %dma_start3A_10 = tpu.memref_slice %arg4[%add3A_8] : memref<327680xi32, #tpu.memory_space<hbm>> -> memref<128xi32, #tpu.memory_space<hbm>>
    %dma_start3A_11 = tpu.memref_slice %arg4[%add3A_8] : memref<327680xi32, #tpu.memory_space<hbm>> -> memref<128xi32, #tpu.memory_space<hbm>>
    tpu.enqueue_dma source(%dma_start3A_11 : memref<128xi32, #tpu.memory_space<hbm>>) target(%arg8 : memref<128xi32, #tpu.memory_space<vmem>>) target_semaphore(%arg14 : memref<!tpu.dma_semaphore, #tpu.memory_space<semaphore_mem>>)
    %dma_wait3A = tpu.memref_slice %arg3[%mul3A_6] : memref<327680xi32, #tpu.memory_space<hbm>> -> memref<128xi32, #tpu.memory_space<hbm>>
    %dma_wait3A_12 = tpu.memref_slice %arg3[%mul3A_6] : memref<327680xi32, #tpu.memory_space<hbm>> -> memref<128xi32, #tpu.memory_space<hbm>>
    tpu.wait_dma2 semaphore(%arg14 : memref<!tpu.dma_semaphore, #tpu.memory_space<semaphore_mem>>) src(%dma_wait3A_12 : memref<128xi32, #tpu.memory_space<hbm>>) dst(%arg7 : memref<128xi32, #tpu.memory_space<vmem>>)
    %dma_wait3A_13 = tpu.memref_slice %arg4[%mul3A_6] : memref<327680xi32, #tpu.memory_space<hbm>> -> memref<128xi32, #tpu.memory_space<hbm>>
    %dma_wait3A_14 = tpu.memref_slice %arg4[%mul3A_6] : memref<327680xi32, #tpu.memory_space<hbm>> -> memref<128xi32, #tpu.memory_space<hbm>>
    tpu.wait_dma2 semaphore(%arg14 : memref<!tpu.dma_semaphore, #tpu.memory_space<semaphore_mem>>) src(%dma_wait3A_14 : memref<128xi32, #tpu.memory_space<hbm>>) dst(%arg8 : memref<128xi32, #tpu.memory_space<vmem>>)
    %dma_start3A_15 = arith.constant 0 : i32
    %dma_start3A_16 = arith.constant 0 : i32
    %dma_start3A_17 = tpu.memref_slice %arg2[%dma_start3A_15, %dma_start3A_16] : memref<10240x144xf32, #tpu.memory_space<hbm>> -> memref<10240x144xf32, #tpu.memory_space<hbm>>
    tpu.enqueue_indirect_dma source(%dma_start3A_17 : memref<10240x144xf32, #tpu.memory_space<hbm>>) target(%arg9 : memref<128x144xf32, #tpu.memory_space<vmem>>) offsets(%arg7 : memref<128xi32, #tpu.memory_space<vmem>>) semaphore(%arg16 : memref<!tpu.dma_semaphore, #tpu.memory_space<semaphore_mem>>)
    %add3A_18 = arith.constant 128 : i32
    %add3A_19 = arith.addi %mul3A_6, %add3A_18 : i32
    %dma_start3A_20 = tpu.memref_slice %arg3[%add3A_19] : memref<327680xi32, #tpu.memory_space<hbm>> -> memref<128xi32, #tpu.memory_space<hbm>>
    %dma_start3A_21 = tpu.memref_slice %arg3[%add3A_19] : memref<327680xi32, #tpu.memory_space<hbm>> -> memref<128xi32, #tpu.memory_space<hbm>>
    tpu.enqueue_dma source(%dma_start3A_21 : memref<128xi32, #tpu.memory_space<hbm>>) target(%arg10 : memref<128xi32, #tpu.memory_space<vmem>>) target_semaphore(%arg15 : memref<!tpu.dma_semaphore, #tpu.memory_space<semaphore_mem>>)
    %dma_start3A_22 = tpu.memref_slice %arg4[%add3A_19] : memref<327680xi32, #tpu.memory_space<hbm>> -> memref<128xi32, #tpu.memory_space<hbm>>
    %dma_start3A_23 = tpu.memref_slice %arg4[%add3A_19] : memref<327680xi32, #tpu.memory_space<hbm>> -> memref<128xi32, #tpu.memory_space<hbm>>
    tpu.enqueue_dma source(%dma_start3A_23 : memref<128xi32, #tpu.memory_space<hbm>>) target(%arg11 : memref<128xi32, #tpu.memory_space<vmem>>) target_semaphore(%arg15 : memref<!tpu.dma_semaphore, #tpu.memory_space<semaphore_mem>>)
    %scan3A = arith.constant 0 : i32
    %scan3A_24 = arith.constant 0 : i32
    %scan3A_25 = arith.constant 40 : i32
    %scan3A_26 = arith.addi %scan3A_24, %scan3A_25 : i32
    %scan3A_27 = arith.constant 1 : i32
    scf.for %scan3A_37 = %scan3A_24 to %scan3A_26 step %scan3A_27  : i32 {
      %dma_wait3A_38 = tpu.memref_slice %arg3[%mul3A_6] : memref<327680xi32, #tpu.memory_space<hbm>> -> memref<128xi32, #tpu.memory_space<hbm>>
      %dma_wait3A_39 = tpu.memref_slice %arg3[%mul3A_6] : memref<327680xi32, #tpu.memory_space<hbm>> -> memref<128xi32, #tpu.memory_space<hbm>>
      tpu.wait_dma2 semaphore(%arg15 : memref<!tpu.dma_semaphore, #tpu.memory_space<semaphore_mem>>) src(%dma_wait3A_39 : memref<128xi32, #tpu.memory_space<hbm>>) dst(%arg10 : memref<128xi32, #tpu.memory_space<vmem>>)
      %dma_wait3A_40 = tpu.memref_slice %arg4[%mul3A_6] : memref<327680xi32, #tpu.memory_space<hbm>> -> memref<128xi32, #tpu.memory_space<hbm>>
      %dma_wait3A_41 = tpu.memref_slice %arg4[%mul3A_6] : memref<327680xi32, #tpu.memory_space<hbm>> -> memref<128xi32, #tpu.memory_space<hbm>>
      tpu.wait_dma2 semaphore(%arg15 : memref<!tpu.dma_semaphore, #tpu.memory_space<semaphore_mem>>) src(%dma_wait3A_41 : memref<128xi32, #tpu.memory_space<hbm>>) dst(%arg11 : memref<128xi32, #tpu.memory_space<vmem>>)
      %dma_start3A_42 = arith.constant 0 : i32
      %dma_start3A_43 = arith.constant 0 : i32
      %dma_start3A_44 = tpu.memref_slice %arg2[%dma_start3A_42, %dma_start3A_43] : memref<10240x144xf32, #tpu.memory_space<hbm>> -> memref<10240x144xf32, #tpu.memory_space<hbm>>
      tpu.enqueue_indirect_dma source(%dma_start3A_44 : memref<10240x144xf32, #tpu.memory_space<hbm>>) target(%arg12 : memref<128x144xf32, #tpu.memory_space<vmem>>) offsets(%arg10 : memref<128xi32, #tpu.memory_space<vmem>>) semaphore(%arg17 : memref<!tpu.dma_semaphore, #tpu.memory_space<semaphore_mem>>)
      %dma_wait3A_45 = arith.constant 0 : i32
      %dma_wait3A_46 = arith.constant 0 : i32
      %dma_wait3A_47 = tpu.memref_slice %arg2[%dma_wait3A_45, %dma_wait3A_46] : memref<10240x144xf32, #tpu.memory_space<hbm>> -> memref<10240x144xf32, #tpu.memory_space<hbm>>
      tpu.wait_indirect_dma semaphore(%arg16 : memref<!tpu.dma_semaphore, #tpu.memory_space<semaphore_mem>>) src(%dma_wait3A_47 : memref<10240x144xf32, #tpu.memory_space<hbm>>) dst(%arg9 : memref<128x144xf32, #tpu.memory_space<vmem>>)
      "tpu.region"() ({
        %run_scoped3A = tpu.sem_alloc : memref<!tpu.dma_semaphore, #tpu.memory_space<semaphore_mem>>
        %dma_start3A_62 = arith.constant 0 : i32
        %dma_start3A_63 = arith.constant 0 : i32
        %dma_start3A_64 = tpu.memref_slice %arg13[%dma_start3A_62, %dma_start3A_63] : memref<10240x144xf32, #tpu.memory_space<vmem_shared>> -> memref<10240x144xf32, #tpu.memory_space<vmem_shared>>
        tpu.enqueue_indirect_dma source(%arg9 : memref<128x144xf32, #tpu.memory_space<vmem>>) target(%dma_start3A_64 : memref<10240x144xf32, #tpu.memory_space<vmem_shared>>) offsets(%arg8 : memref<128xi32, #tpu.memory_space<vmem>>) semaphore(%run_scoped3A : memref<!tpu.dma_semaphore, #tpu.memory_space<semaphore_mem>>) {add = true}
        %dma_wait3A_65 = arith.constant 0 : i32
        %dma_wait3A_66 = arith.constant 0 : i32
        %dma_wait3A_67 = tpu.memref_slice %arg13[%dma_wait3A_65, %dma_wait3A_66] : memref<10240x144xf32, #tpu.memory_space<vmem_shared>> -> memref<10240x144xf32, #tpu.memory_space<vmem_shared>>
        tpu.wait_indirect_dma semaphore(%run_scoped3A : memref<!tpu.dma_semaphore, #tpu.memory_space<semaphore_mem>>) src(%arg9 : memref<128x144xf32, #tpu.memory_space<vmem>>) dst(%dma_wait3A_67 : memref<10240x144xf32, #tpu.memory_space<vmem_shared>>)
        tpu.yield
      }) : () -> ()
      %add3A_48 = arith.constant 1 : i32
      %add3A_49 = arith.addi %scan3A_37, %add3A_48 : i32
      %lt3A = arith.constant 40 : i32
      %lt3A_50 = arith.cmpi slt, %add3A_49, %lt3A : i32
      %convert_element_type3A = arith.extui %lt3A_50 : i1 to i32
      %cond3A = arith.constant 0 : i32
      %cond3A_51 = arith.cmpi ne, %convert_element_type3A, %cond3A : i32
      scf.if %cond3A_51 {
        %mul3A_62 = arith.constant 2 : i32
        %mul3A_63 = arith.muli %mul3A_62, %scan3A_37 : i32
        %add3A_64 = arith.constant 2 : i32
        %add3A_65 = arith.addi %mul3A_63, %add3A_64 : i32
        %mul3A_66 = arith.constant 128 : i32
        %mul3A_67 = arith.muli %add3A_65, %mul3A_66 : i32
        %add3A_68 = arith.addi %mul3A_6, %mul3A_67 : i32
        %dma_start3A_69 = tpu.memref_slice %arg3[%add3A_68] : memref<327680xi32, #tpu.memory_space<hbm>> -> memref<128xi32, #tpu.memory_space<hbm>>
        %dma_start3A_70 = tpu.memref_slice %arg3[%add3A_68] : memref<327680xi32, #tpu.memory_space<hbm>> -> memref<128xi32, #tpu.memory_space<hbm>>
        tpu.enqueue_dma source(%dma_start3A_70 : memref<128xi32, #tpu.memory_space<hbm>>) target(%arg7 : memref<128xi32, #tpu.memory_space<vmem>>) target_semaphore(%arg14 : memref<!tpu.dma_semaphore, #tpu.memory_space<semaphore_mem>>)
        %dma_start3A_71 = tpu.memref_slice %arg4[%add3A_68] : memref<327680xi32, #tpu.memory_space<hbm>> -> memref<128xi32, #tpu.memory_space<hbm>>
        %dma_start3A_72 = tpu.memref_slice %arg4[%add3A_68] : memref<327680xi32, #tpu.memory_space<hbm>> -> memref<128xi32, #tpu.memory_space<hbm>>
        tpu.enqueue_dma source(%dma_start3A_72 : memref<128xi32, #tpu.memory_space<hbm>>) target(%arg8 : memref<128xi32, #tpu.memory_space<vmem>>) target_semaphore(%arg14 : memref<!tpu.dma_semaphore, #tpu.memory_space<semaphore_mem>>)
        %dma_wait3A_73 = tpu.memref_slice %arg3[%mul3A_6] : memref<327680xi32, #tpu.memory_space<hbm>> -> memref<128xi32, #tpu.memory_space<hbm>>
        %dma_wait3A_74 = tpu.memref_slice %arg3[%mul3A_6] : memref<327680xi32, #tpu.memory_space<hbm>> -> memref<128xi32, #tpu.memory_space<hbm>>
        tpu.wait_dma2 semaphore(%arg14 : memref<!tpu.dma_semaphore, #tpu.memory_space<semaphore_mem>>) src(%dma_wait3A_74 : memref<128xi32, #tpu.memory_space<hbm>>) dst(%arg7 : memref<128xi32, #tpu.memory_space<vmem>>)
        %dma_wait3A_75 = tpu.memref_slice %arg4[%mul3A_6] : memref<327680xi32, #tpu.memory_space<hbm>> -> memref<128xi32, #tpu.memory_space<hbm>>
        %dma_wait3A_76 = tpu.memref_slice %arg4[%mul3A_6] : memref<327680xi32, #tpu.memory_space<hbm>> -> memref<128xi32, #tpu.memory_space<hbm>>
        tpu.wait_dma2 semaphore(%arg14 : memref<!tpu.dma_semaphore, #tpu.memory_space<semaphore_mem>>) src(%dma_wait3A_76 : memref<128xi32, #tpu.memory_space<hbm>>) dst(%arg8 : memref<128xi32, #tpu.memory_space<vmem>>)
        %dma_start3A_77 = arith.constant 0 : i32
        %dma_start3A_78 = arith.constant 0 : i32
        %dma_start3A_79 = tpu.memref_slice %arg2[%dma_start3A_77, %dma_start3A_78] : memref<10240x144xf32, #tpu.memory_space<hbm>> -> memref<10240x144xf32, #tpu.memory_space<hbm>>
        tpu.enqueue_indirect_dma source(%dma_start3A_79 : memref<10240x144xf32, #tpu.memory_space<hbm>>) target(%arg9 : memref<128x144xf32, #tpu.memory_space<vmem>>) offsets(%arg7 : memref<128xi32, #tpu.memory_space<vmem>>) semaphore(%arg16 : memref<!tpu.dma_semaphore, #tpu.memory_space<semaphore_mem>>)
      } else {
      }
      %dma_wait3A_52 = arith.constant 0 : i32
      %dma_wait3A_53 = arith.constant 0 : i32
      %dma_wait3A_54 = tpu.memref_slice %arg2[%dma_wait3A_52, %dma_wait3A_53] : memref<10240x144xf32, #tpu.memory_space<hbm>> -> memref<10240x144xf32, #tpu.memory_space<hbm>>
      tpu.wait_indirect_dma semaphore(%arg17 : memref<!tpu.dma_semaphore, #tpu.memory_space<semaphore_mem>>) src(%dma_wait3A_54 : memref<10240x144xf32, #tpu.memory_space<hbm>>) dst(%arg12 : memref<128x144xf32, #tpu.memory_space<vmem>>)
      "tpu.region"() ({
        %run_scoped3A = tpu.sem_alloc : memref<!tpu.dma_semaphore, #tpu.memory_space<semaphore_mem>>
        %dma_start3A_62 = arith.constant 0 : i32
        %dma_start3A_63 = arith.constant 0 : i32
        %dma_start3A_64 = tpu.memref_slice %arg13[%dma_start3A_62, %dma_start3A_63] : memref<10240x144xf32, #tpu.memory_space<vmem_shared>> -> memref<10240x144xf32, #tpu.memory_space<vmem_shared>>
        tpu.enqueue_indirect_dma source(%arg12 : memref<128x144xf32, #tpu.memory_space<vmem>>) target(%dma_start3A_64 : memref<10240x144xf32, #tpu.memory_space<vmem_shared>>) offsets(%arg11 : memref<128xi32, #tpu.memory_space<vmem>>) semaphore(%run_scoped3A : memref<!tpu.dma_semaphore, #tpu.memory_space<semaphore_mem>>) {add = true}
        %dma_wait3A_65 = arith.constant 0 : i32
        %dma_wait3A_66 = arith.constant 0 : i32
        %dma_wait3A_67 = tpu.memref_slice %arg13[%dma_wait3A_65, %dma_wait3A_66] : memref<10240x144xf32, #tpu.memory_space<vmem_shared>> -> memref<10240x144xf32, #tpu.memory_space<vmem_shared>>
        tpu.wait_indirect_dma semaphore(%run_scoped3A : memref<!tpu.dma_semaphore, #tpu.memory_space<semaphore_mem>>) src(%arg12 : memref<128x144xf32, #tpu.memory_space<vmem>>) dst(%dma_wait3A_67 : memref<10240x144xf32, #tpu.memory_space<vmem_shared>>)
        tpu.yield
      }) : () -> ()
      %add3A_55 = arith.constant 1 : i32
      %add3A_56 = arith.addi %scan3A_37, %add3A_55 : i32
      %lt3A_57 = arith.constant 40 : i32
      %lt3A_58 = arith.cmpi slt, %add3A_56, %lt3A_57 : i32
      %convert_element_type3A_59 = arith.extui %lt3A_58 : i1 to i32
      %cond3A_60 = arith.constant 0 : i32
      %cond3A_61 = arith.cmpi ne, %convert_element_type3A_59, %cond3A_60 : i32
      scf.if %cond3A_61 {
        %mul3A_62 = arith.constant 2 : i32
        %mul3A_63 = arith.muli %mul3A_62, %scan3A_37 : i32
        %add3A_64 = arith.constant 3 : i32
        %add3A_65 = arith.addi %mul3A_63, %add3A_64 : i32
        %mul3A_66 = arith.constant 128 : i32
        %mul3A_67 = arith.muli %add3A_65, %mul3A_66 : i32
        %add3A_68 = arith.addi %mul3A_6, %mul3A_67 : i32
        %dma_start3A_69 = tpu.memref_slice %arg3[%add3A_68] : memref<327680xi32, #tpu.memory_space<hbm>> -> memref<128xi32, #tpu.memory_space<hbm>>
        %dma_start3A_70 = tpu.memref_slice %arg3[%add3A_68] : memref<327680xi32, #tpu.memory_space<hbm>> -> memref<128xi32, #tpu.memory_space<hbm>>
        tpu.enqueue_dma source(%dma_start3A_70 : memref<128xi32, #tpu.memory_space<hbm>>) target(%arg10 : memref<128xi32, #tpu.memory_space<vmem>>) target_semaphore(%arg15 : memref<!tpu.dma_semaphore, #tpu.memory_space<semaphore_mem>>)
        %dma_start3A_71 = tpu.memref_slice %arg4[%add3A_68] : memref<327680xi32, #tpu.memory_space<hbm>> -> memref<128xi32, #tpu.memory_space<hbm>>
        %dma_start3A_72 = tpu.memref_slice %arg4[%add3A_68] : memref<327680xi32, #tpu.memory_space<hbm>> -> memref<128xi32, #tpu.memory_space<hbm>>
        tpu.enqueue_dma source(%dma_start3A_72 : memref<128xi32, #tpu.memory_space<hbm>>) target(%arg11 : memref<128xi32, #tpu.memory_space<vmem>>) target_semaphore(%arg15 : memref<!tpu.dma_semaphore, #tpu.memory_space<semaphore_mem>>)
      } else {
      }
    }
    %scan3A_28 = arith.constant 40 : i32
    %barrier3A_29 = arith.constant 0 : index
    tpu.barrier barrier_id(%barrier3A_29)
    %mul3A_30 = arith.constant 640 : i32
    %mul3A_31 = arith.muli %arg1, %mul3A_30 : i32
    %mul3A_32 = arith.constant 10240 : i32
    %mul3A_33 = arith.muli %arg0, %mul3A_32 : i32
    %mul3A_34 = arith.constant 640 : i32
    %mul3A_35 = arith.muli %arg1, %mul3A_34 : i32
    %add3A_36 = arith.addi %mul3A_33, %mul3A_35 : i32
    "tpu.region"() ({
      %run_scoped3A = tpu.sem_alloc : memref<!tpu.dma_semaphore, #tpu.memory_space<semaphore_mem>>
      %dma_start3A_37 = arith.constant 0 : i32
      %dma_start3A_38 = tpu.memref_slice %arg6[%add3A_36, %dma_start3A_37] : memref<20480x144xf32, #tpu.memory_space<hbm>> -> memref<640x144xf32, #tpu.memory_space<hbm>>
      %dma_start3A_39 = arith.constant 0 : i32
      %dma_start3A_40 = tpu.memref_slice %arg13[%mul3A_31, %dma_start3A_39] : memref<10240x144xf32, #tpu.memory_space<vmem_shared>> -> memref<640x144xf32, #tpu.memory_space<vmem_shared>>
      tpu.enqueue_dma source(%dma_start3A_40 : memref<640x144xf32, #tpu.memory_space<vmem_shared>>) target(%dma_start3A_38 : memref<640x144xf32, #tpu.memory_space<hbm>>) target_semaphore(%run_scoped3A : memref<!tpu.dma_semaphore, #tpu.memory_space<semaphore_mem>>)
      %dma_wait3A_41 = arith.constant 0 : i32
      %dma_wait3A_42 = tpu.memref_slice %arg6[%add3A_36, %dma_wait3A_41] : memref<20480x144xf32, #tpu.memory_space<hbm>> -> memref<640x144xf32, #tpu.memory_space<hbm>>
      %dma_wait3A_43 = arith.constant 0 : i32
      %dma_wait3A_44 = tpu.memref_slice %arg13[%mul3A_31, %dma_wait3A_43] : memref<10240x144xf32, #tpu.memory_space<vmem_shared>> -> memref<640x144xf32, #tpu.memory_space<vmem_shared>>
      tpu.wait_dma2 semaphore(%run_scoped3A : memref<!tpu.dma_semaphore, #tpu.memory_space<semaphore_mem>>) src(%dma_wait3A_44 : memref<640x144xf32, #tpu.memory_space<vmem_shared>>) dst(%dma_wait3A_42 : memref<640x144xf32, #tpu.memory_space<hbm>>)
      tpu.yield
    }) : () -> ()
    return
  }
}

module attributes {stable_mosaic.version = 14 : i64} {
  func.func @_tc_self_body(%arg0: i32, %arg1: memref<1000x128xf32, #tpu.memory_space<vmem>>, %arg2: memref<128x128xf32, #tpu.memory_space<vmem>>, %arg3: memref<1x128xf32, #tpu.memory_space<vmem>>, %arg4: memref<1000x128xf32, #tpu.memory_space<vmem>>) attributes {dimension_semantics = [#tpu.dimension_semantics<arbitrary>], iteration_bounds = array<i64: 10>, scalar_prefetch = 0 : i64, scratch_operands = 0 : i64, tpu.core_type = #tpu.core_type<tc>, window_params = [{transform_indices = @transform_0, window_bounds = array<i64: 1000, 128>}, {pipeline_mode = #tpu.pipeline_mode<synchronous>, transform_indices = @transform_1, window_bounds = array<i64: 128, 128>}, {pipeline_mode = #tpu.pipeline_mode<synchronous>, transform_indices = @transform_2, window_bounds = array<i64: 1, 128>}, {transform_indices = @transform_3, window_bounds = array<i64: 1000, 128>}]} {
    %get3A = arith.constant 0 : index
    %get3A_0 = arith.constant 0 : index
    %get3A_1 = vector.load %arg1[%get3A, %get3A_0] : memref<1000x128xf32, #tpu.memory_space<vmem>>, vector<1000x128xf32>
    %get3A_2 = arith.constant 0 : index
    %get3A_3 = arith.constant 0 : index
    %get3A_4 = vector.load %arg2[%get3A_2, %get3A_3] : memref<128x128xf32, #tpu.memory_space<vmem>>, vector<128x128xf32>
    %dot_general3A = arith.constant dense<0.000000e+00> : vector<1000x128xf32>
    %dot_general3A_5 = tpu.matmul %get3A_1, %get3A_4, %dot_general3A {dimension_numbers = #tpu.dot_dimension_numbers<[1], [0], [0], [1], [0, 0, 1, 1], [], []>, transpose_lhs_hint = false} : vector<1000x128xf32>, vector<128x128xf32>, vector<1000x128xf32> -> vector<1000x128xf32>
    %get3A_6 = arith.constant 0 : index
    %get3A_7 = arith.constant 0 : index
    %get3A_8 = vector.load %arg3[%get3A_6, %get3A_7] : memref<1x128xf32, #tpu.memory_space<vmem>>, vector<1x128xf32>
    %add3A = vector.broadcast %get3A_8 : vector<1x128xf32> to vector<1000x128xf32>
    %add3A_9 = arith.addf %dot_general3A_5, %add3A : vector<1000x128xf32>
    %swap3A = arith.constant 0 : index
    %swap3A_10 = arith.constant 0 : index
    %swap3A_11 = vector.load %arg4[%swap3A, %swap3A_10] : memref<1000x128xf32, #tpu.memory_space<vmem>>, vector<1000x128xf32>
    tpu.vector_store %arg4[%swap3A, %swap3A_10], %add3A_9 {strides = array<i32>} : memref<1000x128xf32, #tpu.memory_space<vmem>>, vector<1000x128xf32>,
    return
  }
  func.func @transform_0(%arg0: i32) -> (i32, i32) {
    %c0_i32 = arith.constant 0 : i32
    %c0_i32_0 = arith.constant 0 : i32
    return %arg0, %c0_i32 : i32, i32
  }
  func.func @transform_1(%arg0: i32) -> (i32, i32) {
    %c0_i32 = arith.constant 0 : i32
    %c0_i32_0 = arith.constant 0 : i32
    %c0_i32_1 = arith.constant 0 : i32
    return %c0_i32, %c0_i32_0 : i32, i32
  }
  func.func @transform_2(%arg0: i32) -> (i32, i32) {
    %c0_i32 = arith.constant 0 : i32
    %c0_i32_0 = arith.constant 0 : i32
    %c0_i32_1 = arith.constant 0 : i32
    return %c0_i32, %c0_i32_0 : i32, i32
  }
  func.func @transform_3(%arg0: i32) -> (i32, i32) {
    %c0_i32 = arith.constant 0 : i32
    %c0_i32_0 = arith.constant 0 : i32
    return %arg0, %c0_i32 : i32, i32
  }
}

module attributes {stable_mosaic.version = 14 : i64} {
  func.func @_tc_body(%arg0: i32, %arg1: memref<1000x128xf32, #tpu.memory_space<vmem>>, %arg2: memref<1x1000x144xf32, #tpu.memory_space<vmem>>, %arg3: memref<1x1000x144xf32, #tpu.memory_space<vmem>>, %arg4: memref<128x128xf32, #tpu.memory_space<vmem>>, %arg5: memref<1000x128xf32, #tpu.memory_space<vmem>>) attributes {dimension_semantics = [#tpu.dimension_semantics<arbitrary>], iteration_bounds = array<i64: 10>, scalar_prefetch = 0 : i64, scratch_operands = 0 : i64, tpu.core_type = #tpu.core_type<tc>, window_params = [{transform_indices = @transform_0, window_bounds = array<i64: 1000, 128>}, {transform_indices = @transform_1, window_bounds = array<i64: 1, 1000, 144>}, {transform_indices = @transform_2, window_bounds = array<i64: 1, 1000, 144>}, {pipeline_mode = #tpu.pipeline_mode<synchronous>, transform_indices = @transform_3, window_bounds = array<i64: 128, 128>}, {transform_indices = @transform_4, window_bounds = array<i64: 1000, 128>}]} {
    %get3A = arith.constant 0 : index
    %get3A_0 = arith.constant 0 : index
    %get3A_1 = arith.constant 0 : index
    %get3A_2 = vector.load %arg2[%get3A, %get3A_0, %get3A_1] : memref<1x1000x144xf32, #tpu.memory_space<vmem>>, vector<1x1000x144xf32>
    %get3A_3 = vector.shape_cast %get3A_2 : vector<1x1000x144xf32> to vector<1000x144xf32>
    %get3A_4 = arith.constant 0 : index
    %get3A_5 = arith.constant 0 : index
    %get3A_6 = arith.constant 0 : index
    %get3A_7 = vector.load %arg3[%get3A_4, %get3A_5, %get3A_6] : memref<1x1000x144xf32, #tpu.memory_space<vmem>>, vector<1x1000x144xf32>
    %get3A_8 = vector.shape_cast %get3A_7 : vector<1x1000x144xf32> to vector<1000x144xf32>
    %add3A = arith.addf %get3A_3, %get3A_8 : vector<1000x144xf32>
    %slice3A = vector.extract_strided_slice %add3A {offsets = [0, 128], sizes = [1000, 16], strides = [1, 1]} : vector<1000x144xf32> to vector<1000x16xf32>
    %reduce_sum3A = arith.constant dense<0.000000e+00> : vector<1000xf32>
    %reduce_sum3A_9 = vector.multi_reduction <add>, %slice3A, %reduce_sum3A [1] : vector<1000x16xf32> to vector<1000xf32>
    %broadcast_in_dim3A = vector.shape_cast %reduce_sum3A_9 : vector<1000xf32> to vector<1000x1xf32>
    %slice3A_10 = vector.extract_strided_slice %add3A {offsets = [0, 0], sizes = [1000, 128], strides = [1, 1]} : vector<1000x144xf32> to vector<1000x128xf32>
    %max3A = arith.constant 1.000000e+00 : f32
    %max3A_11 = vector.broadcast %max3A : f32 to vector<1000x1xf32>
    %max3A_12 = arith.maximumf %broadcast_in_dim3A, %max3A_11 : vector<1000x1xf32>
    %div3A = vector.broadcast %max3A_12 : vector<1000x1xf32> to vector<1000x128xf32>
    %div3A_13 = arith.divf %slice3A_10, %div3A : vector<1000x128xf32>
    %get3A_14 = arith.constant 0 : index
    %get3A_15 = arith.constant 0 : index
    %get3A_16 = vector.load %arg1[%get3A_14, %get3A_15] : memref<1000x128xf32, #tpu.memory_space<vmem>>, vector<1000x128xf32>
    %get3A_17 = arith.constant 0 : index
    %get3A_18 = arith.constant 0 : index
    %get3A_19 = vector.load %arg4[%get3A_17, %get3A_18] : memref<128x128xf32, #tpu.memory_space<vmem>>, vector<128x128xf32>
    %dot_general3A = arith.constant dense<0.000000e+00> : vector<1000x128xf32>
    %dot_general3A_20 = tpu.matmul %div3A_13, %get3A_19, %dot_general3A {dimension_numbers = #tpu.dot_dimension_numbers<[1], [0], [0], [1], [0, 0, 1, 1], [], []>, transpose_lhs_hint = false} : vector<1000x128xf32>, vector<128x128xf32>, vector<1000x128xf32> -> vector<1000x128xf32>
    %add3A_21 = arith.addf %get3A_16, %dot_general3A_20 : vector<1000x128xf32>
    %max3A_22 = arith.constant 0.000000e+00 : f32
    %max3A_23 = vector.broadcast %max3A_22 : f32 to vector<1000x128xf32>
    %max3A_24 = arith.maximumf %add3A_21, %max3A_23 : vector<1000x128xf32>
    %swap3A = arith.constant 0 : index
    %swap3A_25 = arith.constant 0 : index
    %swap3A_26 = vector.load %arg5[%swap3A, %swap3A_25] : memref<1000x128xf32, #tpu.memory_space<vmem>>, vector<1000x128xf32>
    tpu.vector_store %arg5[%swap3A, %swap3A_25], %max3A_24 {strides = array<i32>} : memref<1000x128xf32, #tpu.memory_space<vmem>>, vector<1000x128xf32>,
    return
  }
  func.func @transform_0(%arg0: i32) -> (i32, i32) {
    %c0_i32 = arith.constant 0 : i32
    %c0_i32_0 = arith.constant 0 : i32
    return %arg0, %c0_i32 : i32, i32
  }
  func.func @transform_1(%arg0: i32) -> (i32, i32, i32) {
    %c0_i32 = arith.constant 0 : i32
    %c0_i32_0 = arith.constant 0 : i32
    %c0_i32_1 = arith.constant 0 : i32
    return %c0_i32, %arg0, %c0_i32_0 : i32, i32, i32
  }
  func.func @transform_2(%arg0: i32) -> (i32, i32, i32) {
    %c1_i32 = arith.constant 1 : i32
    %c0_i32 = arith.constant 0 : i32
    %c0_i32_0 = arith.constant 0 : i32
    return %c1_i32, %arg0, %c0_i32 : i32, i32, i32
  }
  func.func @transform_3(%arg0: i32) -> (i32, i32) {
    %c0_i32 = arith.constant 0 : i32
    %c0_i32_0 = arith.constant 0 : i32
    %c0_i32_1 = arith.constant 0 : i32
    return %c0_i32, %c0_i32_0 : i32, i32
  }
  func.func @transform_4(%arg0: i32) -> (i32, i32) {
    %c0_i32 = arith.constant 0 : i32
    %c0_i32_0 = arith.constant 0 : i32
    return %arg0, %c0_i32 : i32, i32
  }
}

</mosaic_0001>

<sc_bundles>
// kernel: kernel.5.cloned.1.call-start
scs
__scs_entry_jumppad:
0x0: {  	(pc) =	sbr.rel $0x88, $3  }
0x1: {  	(tag) =	ssettag $0x0;
	lr =	simm.s32 $0x1  }
0x2: {  	[smem:$0x3F9D] =	sst lr;
	_ =	strace $0xD0000000  }
0x3: {  	_ = 	snop  }
0x4: {  	_ = 	snop  }
0x5: {  	_ = 	snop  }
0x6: {  	_ = 	snop  }
0x7: {  	_ = 	snop  }
__scs_overlays_trampoline_lowered:
0x8: {  	[smem:$0x3FAC] =	sst s0  }
0x9: {  	[smem:$0x3FAD] =	sst s1  }
0xa: {  	[smem:$0x3FAE] =	sst s2  }
0xb: {  	[smem:$0x3FAF] =	sst s3  }
0xc: {  	[smem:$0x3FB0] =	sst s4  }
0xd: {  	[smem:$0x3FB1] =	sst s5  }
0xe: {  	[smem:$0x3FB2] =	sst s6  }
0xf: {  	[smem:$0x3FB3] =	sst s7  }
0x10: {  	[smem:$0x3FB4] =	sst s8  }
0x11: {  	[smem:$0x3FB5] =	sst s9;
	s0 =	simm.s32 @!p0 $0x0  }
0x12: {  	s1 =	sld [smem:$0x3F9B];
	s0 =	simm.s32 @p0 $0x1  }
0x13: {  	[smem:$0x3FB6] =	sst s0;
	s0 =	simm.s32 @!p1 $0x0  }
0x14: {  	s2 =	sld [smem:$0x3F9A];
	s0 =	simm.s32 @p1 $0x1  }
0x15: {  	[smem:$0x3FB7] =	sst s0;
	s0 =	simm.s32 @!p2 $0x0  }
0x16: {  	s3 =	sld [smem:$0x3FDB];
	s0 =	simm.s32 @p2 $0x1  }
0x17: {  	s4 =	simm.s32 $0x1BF5;
	[smem:$0x3FB9] =	sst s0  }
0x18: {  	s0 =	sld [smem:$0x3F9C];
	_ =	swait.ge [sflag:s4], $0x0  }
0x19: {  	s7 =	sld [smem:$0x3F9D]  }
0x1a: {  	s8 =	sadd.s32 $0xFFFFE003, lr  }
0x1b: {  	s9 =	sadd.s32 $0xFFFFFEF7, lr;
	s5 =	simm.s32 $0xFFFFFFFF;
	p2 =	slt.u32 s8, $0xFFFFF086  }
0x1c: {  	p1 =	slt.u32 s9, $0xF7A;
	s5 =	simm.s32 @!p2 $0x0  }
0x1d: {  	s5 =	simm.s32 @p1 $0x1;
	p0 =	seq.s32 s7, s2  }
0x1e: {  	s7 =	smul.u32 @!p0 $0xF7A, s2;
	p2 =	seq.s32 @!p0 s5, $0x0  }
0x1f: {  	s9 =	smul.u32 $0xF7A, s1;
	s8 =	simm.s32 @!p0 $0x1BF5;
	p2 =	por !p2, p0  }
0x20: {  	[sflag:s8] =	ssyncset.s32 @!p0 $0xFFFFF086;
	s6 =	sadd.s32 @!p0 s3, s7;
	s7 =	simm.s32 @!p0 $0x108  }
0x21: {  	s3 =	sadd.s32 s3, s9;
	s6 =	sadd.s32 @!p0 $0x88, s6;
	s7 =	simm.s32 @p2 $0x1082  }
0x22: {  	[simem:s7], [sflag:s8] =	dma.local @!p0 [hbm:s6], $0xF7A  }
0x23: {  	s9 =	sor.u32 $0xD0000000, s2;
	s6 =	simm.s32 $0x108;
	_ =	swait.ge @!p0 [sflag:s8], $0x0  }
0x24: {  	s3 =	sadd.s32 $0x88, s3;
	s6 =	simm.s32 @!p1 $0x1082;
	[sflag:s4] =	ssyncset.s32 $0xFFFFF086  }
0x25: {  	[simem:s6], [sflag:s4] =	dma.local [hbm:s3], $0xF7A  }
0x26: {  	[smem:$0x3F9D] =	sst s1;
	(tag) =	ssettag s2;
	_ =	strace s9  }
0x27: {  	s1 =	sld [smem:$0x3FAD]  }
0x28: {  	s2 =	sld [smem:$0x3FAE]  }
0x29: {  	s4 =	sld [smem:$0x3FB0]  }
0x2a: {  	p0 =	seq.s32 s5, $0x0;
	s5 =	sld [smem:$0x3FB1]  }
0x2b: {  	s6 =	sld [smem:$0x3FB2]  }
0x2c: {  	s7 =	sld [smem:$0x3FB3]  }
0x2d: {  	s3 =	simm.s32 $0x108;
	s8 =	sld [smem:$0x3FB4]  }
0x2e: {  	s3 =	simm.s32 @!p0 $0x1082;
	s9 =	sld [smem:$0x3FB5]  }
0x2f: {  	lr =	sadd.s32 s0, s3;
	s0 =	sld [smem:$0x3FAC]  }
0x30: {  	s3 =	sld [smem:$0x3FAF]  }
0x31: {  	[smem:$0x3FB8] =	sst s10  }
0x32: {  	s10 =	sld [smem:$0x3FB6];
	_ =	sdelay $0x3  }
0x33: {  	p0 =	seq.s32 s10, $0x1;
	s10 =	sld [smem:$0x3FB8];
	_ =	sdelay $0x3  }
0x34: {  	[smem:$0x3FB8] =	sst s10  }
0x35: {  	s10 =	sld [smem:$0x3FB7];
	_ =	sdelay $0x3  }
0x36: {  	p1 =	seq.s32 s10, $0x1;
	s10 =	sld [smem:$0x3FB8];
	_ =	sdelay $0x3  }
0x37: {  	[smem:$0x3FB8] =	sst s10  }
0x38: {  	s10 =	sld [smem:$0x3FB9]  }
0x39: {  	_ = 	snop;
	(pc) =	sbr.ind lr, $3  }
0x3a: {  	_ = 	snop  }
0x3b: {  	_ = 	snop  }
0x3c: {  	p2 =	seq.s32 s10, $0x1;
	s10 =	sld [smem:$0x3FB8]  }
0x3d: {  	_ =	shalt  }
0x3e: {  	_ =	shalt  }
0x3f: {  	_ =	shalt  }
0x40: {  	_ =	shalt  }
0x41: {  	_ =	shalt  }
0x42: {  	_ =	shalt  }
0x43: {  	_ =	shalt  }
0x44: {  	_ =	shalt  }
0x45: {  	_ =	shalt  }
0x46: {  	_ =	shalt  }
0x47: {  	_ =	shalt  }
0x48: {  	_ =	shalt  }
0x49: {  	_ =	shalt  }
0x4a: {  	_ =	shalt  }
0x4b: {  	_ =	shalt  }
0x4c: {  	_ =	shalt  }
0x4d: {  	_ =	shalt  }
0x4e: {  	_ =	shalt  }
0x4f: {  	_ =	shalt  }
0x50: {  	_ =	shalt  }
0x51: {  	_ =	shalt  }
0x52: {  	_ =	shalt  }
0x53: {  	_ =	shalt  }
0x54: {  	_ =	shalt  }
0x55: {  	_ =	shalt  }
0x56: {  	_ =	shalt  }
0x57: {  	_ =	shalt  }
0x58: {  	_ =	shalt  }
0x59: {  	_ =	shalt  }
0x5a: {  	_ =	shalt  }
0x5b: {  	_ =	shalt  }
0x5c: {  	_ =	shalt  }
0x5d: {  	_ =	shalt  }
0x5e: {  	_ =	shalt  }
0x5f: {  	_ =	shalt  }
0x60: {  	_ =	shalt  }
0x61: {  	_ =	shalt  }
0x62: {  	_ =	shalt  }
0x63: {  	_ =	shalt  }
0x64: {  	_ =	shalt  }
0x65: {  	_ =	shalt  }
0x66: {  	_ =	shalt  }
0x67: {  	_ =	shalt  }
0x68: {  	_ =	shalt  }
0x69: {  	_ =	shalt  }
0x6a: {  	_ =	shalt  }
0x6b: {  	_ =	shalt  }
0x6c: {  	_ =	shalt  }
0x6d: {  	_ =	shalt  }
0x6e: {  	_ =	shalt  }
0x6f: {  	_ =	shalt  }
0x70: {  	_ =	shalt  }
0x71: {  	_ =	shalt  }
0x72: {  	_ =	shalt  }
0x73: {  	_ =	shalt  }
0x74: {  	_ =	shalt  }
0x75: {  	_ =	shalt  }
0x76: {  	_ =	shalt  }
0x77: {  	_ =	shalt  }
0x78: {  	_ =	shalt  }
0x79: {  	_ =	shalt  }
0x7a: {  	_ =	shalt  }
0x7b: {  	_ =	shalt  }
0x7c: {  	_ =	shalt  }
0x7d: {  	_ =	shalt  }
0x7e: {  	_ =	shalt  }
0x7f: {  	_ =	shalt  }
0x80: {  	_ =	shalt  }
0x81: {  	_ =	shalt  }
0x82: {  	_ =	shalt  }
0x83: {  	_ =	shalt  }
0x84: {  	_ =	shalt  }
0x85: {  	_ =	shalt  }
0x86: {  	_ =	shalt  }
0x87: {  	_ =	shalt  }
.Lfunc_end0:
.L_simem_size_0:
called_computation_lowered:
.L_overlay_start_0:
0x88: {  	s2 =	sld [smem:$0x3FD9]  }
0x89: {  	s3 =	sld [smem:$0x3FFE];
	_ =	sdelay $0x1  }
0x8a: {  	s1 =	srdreg.scid  }
0x8b: {  	s0 =	sand.u32 $0x1, s1  }
0x8c: {  	s17 =	sshll.u32 s0, $0xA;
	s2 =	sadd.s32 s3, s2  }
0x8d: {  	s2 =	sadd.s32 s2, s17  }
0x8e: {  	[smem:$0x3FC4] =	sst s2  }
0x8f: {  	_ = 	snop  }
0x90: {  	s2 =	sld [smem:$0x3FD0];
	(tm) =	ssettm $0x1  }
0x91: {  	s18 =	sld [smem:$0x3FFB];
	_ =	sdelay $0x3  }
0x92: {  	_ =	strace s18  }
0x93: {  	s3 =	sld [smem:$0x3FFC];
	_ =	sdelay $0x3  }
0x94: {  	_ =	strace s3  }
0x95: {  	s3 =	sld [smem:$0x3FFD];
	_ =	sdelay $0x3  }
0x96: {  	_ =	strace s3  }
0x97: {  	_ =	strace $0x8FFFFFFF  }
0x98: {  	s19 =	sld [smem:$0x3FDB];
	_ =	sdelay $0x1  }
0x99: {  	s4 =	simm.s32 $_scs_section_size  }
0x9a: {  	s5 =	simm.s32 $_size__tile_overlayer_lowered;
	s6 =	simm.s32 $_tile_overlayer_lowered  }
0x9b: {  	s22 =	simm.s32 $0x1BFF;
	s21 =	sshll.u32 s6, $0x1;
	s3 =	sadd.s32 s4, s19  }
0x9c: {  	s7 =	simm.s32 $0x0;
	s20 =	sshll.u32 s5, $0x1;
	s5 =	sadd.s32 s21, s3  }
0x9d: {  	[timem:s7], [sflag:s22] =	dma.local [hbm:s5], s20  }
0x9e: {  	_ =	swait.ge [sflag:s22], s20  }
0x9f: {  	s4 =	ssub.s32 $0x0, s20;
	[sflag:s22] =	ssyncset.done $0x0  }
0xa0: {  	[sflag:s22] =	ssyncadd.s32 s4;
	_ =	sdelay $0x1  }
0xa1: {  	s23 =	simm.s32 $0x1B8B  }
0xa2: {  	_ =	swait.ge [sflag:s23], $0x1  }
0xa3: {  	[sflag:s23] =	ssyncset.done $0x0  }
0xa4: {  	s25 =	simm.s32 $0x1B8E;
	s24 =	sld [smem:$0x3FFE];
	[sflag:s23] =	ssyncadd.s32 $0xFFFFFFFF  }
0xa5: {  	s26 =	simm.s32 $execute0_lowered;
	[smem:$0x3FD2] =	sst s25  }
0xa6: {  	s5 =	sshll.u32 s26, $0x1;
	_ =	strace $0x80000046;
	[dreg:$0x1] =	wrdreg $0xFFFFFFFF  }
0xa7: {  	s28 =	simm.s32 $_size_execute0_lowered;
	s3 =	sadd.s32 s3, s5;
	[dreg:$0x0] =	wrdreg $0x0  }
0xa8: {  	s5 =	sshll.u32 s28, $0x1;
	[dreg:$0x2] =	wrdreg s3  }
0xa9: {  	[dreg:$0x3] =	wrdreg s5  }
0xaa: {  	[dreg:$0x4] =	wrdreg $0xC0  }
0xab: {  	_ =	task [dreg:s7], $0x5FFFF  }
0xac: {  	[dreg:$0x1] =	wrdreg $0xFFFFFFFF  }
0xad: {  	[dreg:$0x0] =	wrdreg $0x60  }
0xae: {  	[dreg:$0x2] =	wrdreg s24  }
0xaf: {  	[dreg:$0x3] =	wrdreg s2  }
0xb0: {  	[dreg:$0x4] =	wrdreg $0x92000  }
0xb1: {  	[dreg:$0x5] =	wrdreg $0x9  }
0xb2: {  	_ =	task.clear_ibuf [dreg:s7], $0x6FFFF;
	_ =	strace $0x90000046  }
0xb3: {  	s29 =	simm.s32 $0x9;
	_ =	strace $0x80000048  }
0xb4: {  	_ =	swait.ge [sflag:s29], $0x1  }
0xb5: {  	[sflag:s29] =	ssyncadd.s32 $0xFFFFFFFF  }
0xb6: {  	_ =	strace $0x90000048  }
0xb7: {  	_ =	sfence  }
0xb8: {  	s30 =	sld [smem:$0x0];
	_ =	sdelay $0x2  }
0xb9: {  	s31 =	sshll.u32 s1, $0xD;
	s1 =	sshrl.u32 s1, $0x2  }
0xba: {  	s3 =	sand.u32 $0x4000, s31;
	s1 =	sadd.s32 s1, s30  }
0xbb: {  	s0 =	sor.u32 s3, s0;
	s1 =	sshll.u32 s1, $0x11  }
0xbc: {  	s0 =	sor.u32 s1, s0  }
0xbd: {  	s0 =	sadd.s32 $0x8F2B, s0  }
0xbe: {  	[sflag:s0] =	ssyncadd.remote.s32 $0x1  }
0xbf: {  	_ =	sfence.sel $0xFFFF  }
0xc0: {  	[dreg:$0x0] =	wrdreg $0xFFFFFFFF;
	(pc) =	sbr.abs _section_cstart, $3  }
0xc1: {  	[dreg:$0x1] =	wrdreg $0xFFFFFFFF  }
0xc2: {  	_ =	task.clear_ibuf [dreg:s7], $0x2FFFF;
	_ =	strace $0x9FFFFFFF  }
0xc3: {  	(tm) =	ssettm $0x7FFFFFFF  }
tec
execute0_lowered:
.L_overlay_start_1:
0x0: {  	(tag) =	ssettag $0x1  }
0x1: {  	s5 =	rddreg [dreg:$0x0]  }
0x2: {  	s16 =	rddreg [dreg:$0x1]  }
0x3: {  	s2 =	rddreg [dreg:$0x2];
	s3 =	simm.s32 $0x0;
	s1 =	stileid.u32  }
0x4: {  	s4 =	srdreg.scid;
	s20 =	simm.s32 $0x1;
	s21 =	simm.s32 $0x100  }
0x5: {  	s22 =	simm.s32 $0x4900;
	s23 =	simm.s32 $0x4980;
	s28 =	simm.s32 $0x4  }
0x6: {  	s29 =	simm.s32 $0x0;
	[smem:$0x7FF] =	sst s3;
	s6 =	smul.u32 $0x16800, s1  }
0x7: {  	s7 =	sand.u32 $0x1, s4;
	s8 =	smul.u32 $0x2D00, s1;
	s4 =	sadd.s32 $0xAC00, s5  }
0x8: {  	s15 =	sadd.s32 $0xC00, s5;
	s31 =	sshll.u32 s1, $0x6;
	s14 =	smul.u32 $0x2800, s1  }
0x9: {  	_ =	strace $0x80000047;
	s10 =	smul.u32 $0x2D000, s7;
	s11 =	sshll.u32 s7, $0x4  }
0xa: {  	s24 =	ssub.s32 $0x2, s7;
	s30 =	smul.u32 $0x28000, s7;
	s9 =	sshrl.u32 s6, $0x3  }
0xb: {  	s11 =	sor.u32 s1, s11;
	s25 =	sshrl.u32 s24, $0x1;
	s17 =	sadd.s32 s6, s2  }
0xc: {  	s6 =	sor.u32 $0x1C05, s31;
	s9 =	sadd.s32 s9, s5;
	s8 =	sadd.s32 s8, s10  }
0xd: {  	s26 =	smul.u32 $0x2800, s11;
	s13 =	ssub.s32 s24, s25;
	s14 =	sadd.s32 s14, s30  }
0xe: {  	s17 =	sshrl.u32 s17, $0x3;
	s24 =	simm.s32 $0x2;
	s25 =	simm.s32 $0x4A00  }
0xf: {  	s12 =	sadd.s32 s8, s5;
	s5 =	sadd.s32 $0x37C00, s9;
	s18 =	sor.u32 $0x180, s14  }
0x10: {  	s14 =	sor.u32 $0x100, s14;
	s11 =	sshrl.u32 s26, $0x3;
	s18 =	sshrl.u32 s18, $0x3  }
0x11: {  	s19 =	sshrl.u32 s14, $0x3;
	s26 =	simm.s32 $0x3;
	s7 =	sadd.s32 s16, s11  }
0x12: {  	s8 =	sadd.s32 s15, s11;
	s11 =	sor.u32 $0x10, s11;
	s14 =	sadd.s32 s18, s16  }
0x13: {  	s9 =	sadd.s32 s16, s11;
	s10 =	sadd.s32 s15, s11;
	s11 =	sadd.s32 $0x64C00, s12  }
0x14: {  	s12 =	smax.u32 s13, $0x1;
	s13 =	sadd.s32 s18, s15;
	s15 =	sadd.s32 s19, s15  }
0x15: {  	s16 =	sadd.s32 s19, s16;
	s18 =	simm.s32 $0x5;
	s19 =	simm.s32 $0x80  }
.LBB2_1:
0x16: {  	[spmem:s17], [sflag:s6] =	dma.local [hbm:s5], $0x2D00  }
0x17: {  	_ =	swait.ge [sflag:s18], $0x2D00  }
0x18: {  	[sflag:s18] =	ssyncset.done $0x0  }
0x19: {  	[sflag:s18] =	ssyncadd.s32 $0xFFFFD300  }
0x1a: {  	[bflag:$0x0] =	sbarrier.arrive $0xFFFF  }
0x1b: {  	[tilespmem:s3], [sflag:$0x1] =	stream.linear.gather [hbm4b:s7+s3], $0x80, $0x38;
	[tilespmem:$0x1FA00] =	vst v63  }
0x1c: {  	_ = 	snop  }
0x1d: {  	[tilespmem:s19], [sflag:$0x1] =	stream.linear.gather [hbm4b:s8+s3], $0x80, $0x38;
	[tilespmem:$0x1FA00] =	vst v63  }
0x1e: {  	_ =	swait.ge [sflag:s20], $0x80  }
0x1f: {  	[sflag:s20] =	ssyncset.done $0x0  }
0x20: {  	[sflag:s20] =	ssyncadd.s32 $0xFFFFFF80  }
0x21: {  	_ =	swait.ge [sflag:s20], $0x80  }
0x22: {  	[sflag:s20] =	ssyncset.done $0x0  }
0x23: {  	[sflag:s20] =	ssyncadd.s32 $0xFFFFFF80  }
0x24: {  	[tilespmem:s21], [sflag:$0x3] =	stream.indirect.gather [hbm4b:s4+s19], $0x90, s3, s19, $0xb8;
	[tilespmem:$0x1FA00] =	vst v63  }
0x25: {  	_ = 	snop  }
0x26: {  	[tilespmem:s22], [sflag:$0x2] =	stream.linear.gather [hbm4b:s9+s3], $0x80, $0x38;
	[tilespmem:$0x1FA00] =	vst v63  }
0x27: {  	_ = 	snop  }
0x28: {  	[tilespmem:s23], [sflag:$0x2] =	stream.linear.gather [hbm4b:s10+s3], $0x80, $0x38;
	[tilespmem:$0x1FA00] =	vst v63  }
0x29: {  	_ =	swait.ge [sflag:s24], $0x80  }
0x2a: {  	[sflag:s24] =	ssyncset.done $0x0  }
0x2b: {  	[sflag:s24] =	ssyncadd.s32 $0xFFFFFF80  }
0x2c: {  	_ =	swait.ge [sflag:s24], $0x80  }
0x2d: {  	[sflag:s24] =	ssyncset.done $0x0  }
0x2e: {  	[sflag:s24] =	ssyncadd.s32 $0xFFFFFF80  }
0x2f: {  	[tilespmem:s25], [sflag:$0x4] =	stream.indirect.gather [hbm4b:s4+s19], $0x90, s22, s19, $0xb8;
	[tilespmem:$0x1FA00] =	vst v63  }
0x30: {  	_ =	swait.ge [sflag:s26], $0x4800  }
0x31: {  	[sflag:s26] =	ssyncset.done $0x0  }
0x32: {  	[sflag:s26] =	ssyncadd.s32 $0xFFFFB800  }
0x33: {  	[spmem:s2] =	stream.indirect.scatter.add.f32 [tilespmem:s21], [sflag:$0x5], $0x90, s19, s19, $0xb8;
	[tilespmem:$0x1FA00] =	vst v63  }
0x34: {  	_ =	swait.ge [sflag:s18], $0x4800  }
0x35: {  	[sflag:s18] =	ssyncset.done $0x0  }
0x36: {  	s30 =	sadd.s32 $0x0, s16;
	[sflag:s18] =	ssyncadd.s32 $0xFFFFB800  }
0x37: {  	[tilespmem:s3], [sflag:$0x1] =	stream.linear.gather [hbm4b:s30+s3], $0x80, $0x38;
	[tilespmem:$0x1FA00] =	vst v63  }
0x38: {  	s30 =	sadd.s32 $0x0, s15  }
0x39: {  	[tilespmem:s19], [sflag:$0x1] =	stream.linear.gather [hbm4b:s30+s3], $0x80, $0x38;
	[tilespmem:$0x1FA00] =	vst v63  }
0x3a: {  	_ =	swait.ge [sflag:s20], $0x80  }
0x3b: {  	[sflag:s20] =	ssyncset.done $0x0  }
0x3c: {  	[sflag:s20] =	ssyncadd.s32 $0xFFFFFF80  }
0x3d: {  	_ =	swait.ge [sflag:s20], $0x80  }
0x3e: {  	[sflag:s20] =	ssyncset.done $0x0  }
0x3f: {  	[sflag:s20] =	ssyncadd.s32 $0xFFFFFF80  }
0x40: {  	[tilespmem:s21], [sflag:$0x3] =	stream.indirect.gather [hbm4b:s4+s19], $0x90, s3, s19, $0xb8;
	[tilespmem:$0x1FA00] =	vst v63  }
0x41: {  	_ =	swait.ge [sflag:s28], $0x4800  }
0x42: {  	[sflag:s28] =	ssyncset.done $0x0  }
0x43: {  	[sflag:s28] =	ssyncadd.s32 $0xFFFFB800  }
0x44: {  	[spmem:s2] =	stream.indirect.scatter.add.f32 [tilespmem:s25], [sflag:$0x5], $0x90, s23, s19, $0xb8;
	[tilespmem:$0x1FA00] =	vst v63  }
0x45: {  	_ =	swait.ge [sflag:s18], $0x4800  }
0x46: {  	[sflag:s18] =	ssyncset.done $0x0  }
0x47: {  	s30 =	sadd.s32 $0x0, s14;
	[sflag:s18] =	ssyncadd.s32 $0xFFFFB800  }
0x48: {  	[tilespmem:s22], [sflag:$0x2] =	stream.linear.gather [hbm4b:s30+s3], $0x80, $0x38;
	[tilespmem:$0x1FA00] =	vst v63  }
0x49: {  	s31 =	sadd.s32 $0x0, s13;
	s30 =	simm.s32 $0x20  }
.LBB2_2:
0x4a: {  	[tilespmem:s23], [sflag:$0x2] =	stream.linear.gather [hbm4b:s31+s3], $0x80, $0x38;
	[tilespmem:$0x1FA00] =	vst v63  }
0x4b: {  	s31 =	smov.u32 s30  }
0x4c: {  	p0 =	sne.s32 s30, $0x4C0;
	s30 =	sadd.s32 $0x20, s30;
	_ =	swait.ge [sflag:s24], $0x80  }
0x4d: {  	[sflag:s24] =	ssyncset.done $0x0  }
0x4e: {  	[sflag:s24] =	ssyncadd.s32 $0xFFFFFF80  }
0x4f: {  	_ =	swait.ge [sflag:s24], $0x80  }
0x50: {  	[sflag:s24] =	ssyncset.done $0x0  }
0x51: {  	[sflag:s24] =	ssyncadd.s32 $0xFFFFFF80  }
0x52: {  	[tilespmem:s25], [sflag:$0x4] =	stream.indirect.gather [hbm4b:s4+s19], $0x90, s22, s19, $0xb8;
	[tilespmem:$0x1FA00] =	vst v63  }
0x53: {  	_ =	swait.ge [sflag:s26], $0x4800  }
0x54: {  	[sflag:s26] =	ssyncset.done $0x0  }
0x55: {  	[sflag:s26] =	ssyncadd.s32 $0xFFFFB800  }
0x56: {  	[spmem:s2] =	stream.indirect.scatter.add.f32 [tilespmem:s21], [sflag:$0x5], $0x90, s19, s19, $0xb8;
	[tilespmem:$0x1FA00] =	vst v63  }
0x57: {  	_ =	swait.ge [sflag:s18], $0x4800  }
0x58: {  	[sflag:s18] =	ssyncset.done $0x0  }
0x59: {  	s0 =	sadd.s32 s31, s16;
	[sflag:s18] =	ssyncadd.s32 $0xFFFFB800  }
0x5a: {  	[tilespmem:s3], [sflag:$0x1] =	stream.linear.gather [hbm4b:s0+s3], $0x80, $0x38;
	[tilespmem:$0x1FA00] =	vst v63  }
0x5b: {  	s0 =	sadd.s32 s31, s15  }
0x5c: {  	[tilespmem:s19], [sflag:$0x1] =	stream.linear.gather [hbm4b:s0+s3], $0x80, $0x38;
	[tilespmem:$0x1FA00] =	vst v63  }
0x5d: {  	_ =	swait.ge [sflag:s20], $0x80  }
0x5e: {  	[sflag:s20] =	ssyncset.done $0x0  }
0x5f: {  	[sflag:s20] =	ssyncadd.s32 $0xFFFFFF80  }
0x60: {  	_ =	swait.ge [sflag:s20], $0x80  }
0x61: {  	[sflag:s20] =	ssyncset.done $0x0  }
0x62: {  	[sflag:s20] =	ssyncadd.s32 $0xFFFFFF80  }
0x63: {  	[tilespmem:s21], [sflag:$0x3] =	stream.indirect.gather [hbm4b:s4+s19], $0x90, s3, s19, $0xb8;
	[tilespmem:$0x1FA00] =	vst v63  }
0x64: {  	_ =	swait.ge [sflag:s28], $0x4800  }
0x65: {  	[sflag:s28] =	ssyncset.done $0x0  }
0x66: {  	[sflag:s28] =	ssyncadd.s32 $0xFFFFB800  }
0x67: {  	[spmem:s2] =	stream.indirect.scatter.add.f32 [tilespmem:s25], [sflag:$0x5], $0x90, s23, s19, $0xb8;
	[tilespmem:$0x1FA00] =	vst v63  }
.Ltmp0:
0x68: {  	_ =	swait.ge [sflag:s18], $0x4800;
	(pc) =	sbr.rel @p0 .LBB2_2-.Ltmp0, $4  }
0x69: {  	[sflag:s18] =	ssyncset.done $0x0  }
0x6a: {  	s0 =	sadd.s32 s31, s14;
	[sflag:s18] =	ssyncadd.s32 $0xFFFFB800  }
0x6b: {  	[tilespmem:s22], [sflag:$0x2] =	stream.linear.gather [hbm4b:s0+s3], $0x80, $0x38;
	[tilespmem:$0x1FA00] =	vst v63  }
0x6c: {  	s31 =	sadd.s32 s31, s13  }
0x6d: {  	[tilespmem:s23], [sflag:$0x2] =	stream.linear.gather [hbm4b:s31+s3], $0x80, $0x38;
	[tilespmem:$0x1FA00] =	vst v63  }
0x6e: {  	_ =	swait.ge [sflag:s24], $0x80  }
0x6f: {  	[sflag:s24] =	ssyncset.done $0x0  }
0x70: {  	[sflag:s24] =	ssyncadd.s32 $0xFFFFFF80  }
0x71: {  	_ =	swait.ge [sflag:s24], $0x80  }
0x72: {  	[sflag:s24] =	ssyncset.done $0x0  }
0x73: {  	[sflag:s24] =	ssyncadd.s32 $0xFFFFFF80  }
0x74: {  	[tilespmem:s25], [sflag:$0x4] =	stream.indirect.gather [hbm4b:s4+s19], $0x90, s22, s19, $0xb8;
	[tilespmem:$0x1FA00] =	vst v63  }
0x75: {  	_ =	swait.ge [sflag:s26], $0x4800  }
0x76: {  	[sflag:s26] =	ssyncset.done $0x0  }
0x77: {  	[sflag:s26] =	ssyncadd.s32 $0xFFFFB800  }
0x78: {  	[spmem:s2] =	stream.indirect.scatter.add.f32 [tilespmem:s21], [sflag:$0x5], $0x90, s19, s19, $0xb8;
	[tilespmem:$0x1FA00] =	vst v63  }
0x79: {  	_ =	swait.ge [sflag:s18], $0x4800  }
0x7a: {  	[sflag:s18] =	ssyncset.done $0x0  }
0x7b: {  	[sflag:s18] =	ssyncadd.s32 $0xFFFFB800  }
0x7c: {  	_ =	swait.ge [sflag:s28], $0x4800  }
0x7d: {  	[sflag:s28] =	ssyncset.done $0x0  }
0x7e: {  	[sflag:s28] =	ssyncadd.s32 $0xFFFFB800  }
0x7f: {  	[spmem:s2] =	stream.indirect.scatter.add.f32 [tilespmem:s25], [sflag:$0x5], $0x90, s23, s19, $0xb8;
	[tilespmem:$0x1FA00] =	vst v63  }
0x80: {  	_ =	swait.ge [sflag:s18], $0x4800  }
0x81: {  	s29 =	sadd.s32 $0x1, s29;
	[sflag:s18] =	ssyncset.done $0x0  }
0x82: {  	p0 =	sne.s32 s29, s12;
	[sflag:s18] =	ssyncadd.s32 $0xFFFFB800  }
.Ltmp1:
0x83: {  	[bflag:$0x0] =	sbarrier.arrive $0xFFFF;
	(pc) =	sbr.rel @p0 .LBB2_1-.Ltmp1, $4  }
0x84: {  	[hbm:s11], [sflag:s6] =	dma.local [spmem:s17], $0x2D00  }
0x85: {  	_ =	swait.ge [sflag:s18], $0x2D00  }
0x86: {  	[sflag:s18] =	ssyncset.done $0x0  }
0x87: {  	[sflag:s18] =	ssyncadd.s32 $0xFFFFD300  }
0x88: {  	_ =	sfence.sel $0x180000  }
0x89: {  	[bflag:$0x0] =	sbarrier.arrive $0xFFFF  }
0x8a: {  	_ =	strace $0x90000047  }
0x8b: {  	[bflag:$0x2] =	sbarrier.arrive $0xFFFF  }
0x8c: {  	p0 =	sne.s32 s1, $0x0;
	s0 =	rddreg [dreg:$0x3]  }
0x8d: {  	s0 =	sadd.s32 @!p0 $0x100000, s0  }
0x8e: {  	[sflag:s0] =	ssyncadd.tile.s32 @!p0 $0x1;
	_ =	shalt  }
.Lfunc_end2:
_tile_overlayer_lowered:
.L_overlay_start_2:
0x8f: {  	(tag) =	ssettag $0x2  }
0x90: {  	s0 =	rddreg [dreg:$0x0];
	s2 =	stileid.u32  }
0x91: {  	s1 =	rddreg [dreg:$0x1];
	p0 =	sne.s32 s2, $0x0  }
0x92: {  	s3 =	rddreg [dreg:$0x2];
	[bflag:$0x3] =	sbarrier.arrive $0xFFFF;
	s2 =	simm.s32 @!p0 $0x1C05  }
0x93: {  	[timem:s3], [sflag:s2] =	dma.local @!p0 [hbm:s0], s1  }
0x94: {  	s0 =	simm.s32 @!p0 $0x5  }
0x95: {  	_ =	swait.ge @!p0 [sflag:s0], s1  }
0x96: {  	s1 =	ssub.s32 @!p0 $0x0, s1;
	[sflag:s0] =	ssyncset.done @!p0 $0x0  }
0x97: {  	[sflag:s0] =	ssyncadd.s32 @!p0 s1  }
0x98: {  	[bflag:$0x3] =	sbarrier.arrive $0xFFFF  }
0x99: {  	_ =	shalt  }

</sc_bundles>
